<compile_context>
chip_gen: v7x
topology: tpu7x:2x2x1
jax: 0.10.2.dev20260603
libtpu: 0.0.44.dev20260713+nightly
codegen_flags: <defaults>
</compile_context>

<pallas_src>
import functools

import jax
import jax.numpy as jnp
from jax import lax
from jax.experimental import pallas as pl
from jax.experimental.pallas import tpu as pltpu
from jax.experimental.pallas import tpu_sc as plsc

_BATCH = 4096

_INFO = plsc.get_sparse_core_info()
_NW = _INFO.num_cores * _INFO.num_subcores
_BPW = _BATCH // _NW
_CH = 32
_NCH = _BPW // _CH

_MESH = plsc.VectorSubcoreMesh(core_axis_name="c", subcore_axis_name="s")


@functools.partial(
    pl.kernel,
    mesh=_MESH,
    out_type=(
        jax.ShapeDtypeStruct((_BATCH, 6, 6), jnp.float32),
        jax.ShapeDtypeStruct((_BATCH, 6, 3), jnp.float32),
    ),
    scratch_types=[
        pltpu.VMEM((_BPW + 16,), jnp.int32),
        pltpu.VMEM((_CH, 6, 6), jnp.float32),
        pltpu.VMEM((_CH, 6, 3), jnp.float32),
        pltpu.SemaphoreType.DMA,
        pltpu.SemaphoreType.DMA,
    ],
)
def _gather_rows(idx_hbm, rot_hbm, tra_hbm, rot_out, tra_out,
                 idx_v, rot_v, tra_v, sem_r, sem_t):
    wid = lax.axis_index("s") * _INFO.num_cores + lax.axis_index("c")
    base = wid * _BPW
    pltpu.sync_copy(idx_hbm.at[pl.ds(base, _BPW)], idx_v.at[pl.ds(0, _BPW)])

    def chunk(c, _):
        cb = c * _CH

        def fire(i, _):
            idx = idx_v[pl.ds(cb + i, 16)][0]
            pltpu.async_copy(rot_hbm.at[idx], rot_v.at[i], sem_r)
            pltpu.async_copy(tra_hbm.at[idx], tra_v.at[i], sem_t)
            return ()

        lax.fori_loop(0, _CH, fire, ())

        def drain(i, _):
            pltpu.make_async_copy(rot_hbm.at[0], rot_v.at[i], sem_r).wait()
            pltpu.make_async_copy(tra_hbm.at[0], tra_v.at[i], sem_t).wait()
            return ()

        lax.fori_loop(0, _CH, drain, ())
        pltpu.sync_copy(rot_v, rot_out.at[pl.ds(base + cb, _CH)])
        pltpu.sync_copy(tra_v, tra_out.at[pl.ds(base + cb, _CH)])
        return ()

    lax.fori_loop(0, _NCH, chunk, ())


def kernel(indexes, rotation_table, translation_table):
    return _gather_rows(indexes, rotation_table, translation_table)

# --- scband reference (transcript-rebuilt; emitter-appended) ---
"""Pipeline reference for scband-vae-64768106824222 (READ-ONLY COPY).

The authoritative reference and input builder live on the scoring server;
editing this copy changes nothing except your own understanding.
"""

import jax, jax.numpy as jnp
import numpy as np

N_IMAGES = 100000
N_DOMAINS = 6
BATCH = 4096


def setup_inputs(seed: int = 0) -> dict:
    key = jax.random.key(seed)
    indexes = jax.random.randint(key, (BATCH,), 0, N_IMAGES, dtype=jnp.int32)
    # Learned per-image parameters, materialized as dense tables
    # rotation init: [1,0,0,0,1,0] repeated over N_domains, for every image
    rotation_table = jnp.tile(
        jnp.array([1.0, 0.0, 0.0, 0.0, 1.0, 0.0], dtype=jnp.float32)[None, None, :],
        (N_IMAGES, N_DOMAINS, 1),
    )
    # translation init: zeros
    translation_table = jnp.zeros((N_IMAGES, N_DOMAINS, 3), dtype=jnp.float32)
    return {
        "indexes": indexes,
        "rotation_table": rotation_table,
        "translation_table": translation_table,
    }


def reference(indexes, rotation_table, translation_table):
    # Faithful translation of VAE.batch_transformations:
    #   torch.stack(itemgetter(*indexes)(self.rotation_per_domain)) == table gather
    rotations = jnp.take(rotation_table, indexes, axis=0)      # (B, N_domains, 6)
    translations = jnp.take(translation_table, indexes, axis=0)  # (B, N_domains, 3)
    return (rotations, translations)

if __name__ == "__main__":
    import jax
    _d = setup_inputs()
    print(jax.jit(kernel)(*tuple(_d.values())))

</pallas_src>

<mosaic_0001>
#map = affine_map<(d0, d1) -> (0)>
#map1 = affine_map<(d0, d1) -> (0, 0, 0)>
module attributes {stable_mosaic.version = 14 : i64} {
  func.func @_gather_rows(%arg0: i32, %arg1: i32, %arg2: memref<4096xi32, #tpu.memory_space<hbm>>, %arg3: memref<100000x6x6xf32, #tpu.memory_space<hbm>>, %arg4: memref<100000x6x3xf32, #tpu.memory_space<hbm>>, %arg5: memref<4096x6x6xf32, #tpu.memory_space<hbm>>, %arg6: memref<4096x6x3xf32, #tpu.memory_space<hbm>>, %arg7: memref<144xi32, #tpu.memory_space<vmem>>, %arg8: memref<32x6x6xf32, #tpu.memory_space<vmem>>, %arg9: memref<32x6x3xf32, #tpu.memory_space<vmem>>, %arg10: memref<!tpu.dma_semaphore, #tpu.memory_space<semaphore_mem>>, %arg11: memref<!tpu.dma_semaphore, #tpu.memory_space<semaphore_mem>>) attributes {dimension_semantics = [#tpu.dimension_semantics<core_parallel>, #tpu.dimension_semantics<subcore_parallel>], iteration_bounds = array<i64: 2, 16>, scalar_prefetch = 0 : i64, scratch_operands = 5 : i64, tpu.core_type = #tpu.core_type<sc_vector_subcore>, window_params = [{transform_indices = #map}, {transform_indices = #map1}, {transform_indices = #map1}, {transform_indices = #map1}, {transform_indices = #map1}]} {
    %mul3A = arith.constant 2 : i32
    %mul3A_0 = arith.muli %arg1, %mul3A : i32
    %add3A = arith.addi %mul3A_0, %arg0 : i32
    %mul3A_1 = arith.constant 128 : i32
    %mul3A_2 = arith.muli %add3A, %mul3A_1 : i32
    "tpu.region"() ({
      %run_scoped3A = tpu.sem_alloc : memref<!tpu.dma_semaphore, #tpu.memory_space<semaphore_mem>>
      %dma_start3A = arith.constant 0 : i32
      %dma_start3A_7 = tpu.memref_slice %arg7[%dma_start3A] : memref<144xi32, #tpu.memory_space<vmem>> -> memref<128xi32, #tpu.memory_space<vmem>>
      %dma_start3A_8 = tpu.memref_slice %arg2[%mul3A_2] : memref<4096xi32, #tpu.memory_space<hbm>> -> memref<128xi32, #tpu.memory_space<hbm>>
      %dma_start3A_9 = arith.constant 0 : i32
      %dma_start3A_10 = tpu.memref_slice %arg7[%dma_start3A_9] : memref<144xi32, #tpu.memory_space<vmem>> -> memref<128xi32, #tpu.memory_space<vmem>>
      %dma_start3A_11 = tpu.memref_slice %arg2[%mul3A_2] : memref<4096xi32, #tpu.memory_space<hbm>> -> memref<128xi32, #tpu.memory_space<hbm>>
      tpu.enqueue_dma source(%dma_start3A_11 : memref<128xi32, #tpu.memory_space<hbm>>) target(%dma_start3A_10 : memref<128xi32, #tpu.memory_space<vmem>>) target_semaphore(%run_scoped3A : memref<!tpu.dma_semaphore, #tpu.memory_space<semaphore_mem>>)
      %dma_wait3A = arith.constant 0 : i32
      %dma_wait3A_12 = tpu.memref_slice %arg7[%dma_wait3A] : memref<144xi32, #tpu.memory_space<vmem>> -> memref<128xi32, #tpu.memory_space<vmem>>
      %dma_wait3A_13 = tpu.memref_slice %arg2[%mul3A_2] : memref<4096xi32, #tpu.memory_space<hbm>> -> memref<128xi32, #tpu.memory_space<hbm>>
      %dma_wait3A_14 = arith.constant 0 : i32
      %dma_wait3A_15 = tpu.memref_slice %arg7[%dma_wait3A_14] : memref<144xi32, #tpu.memory_space<vmem>> -> memref<128xi32, #tpu.memory_space<vmem>>
      %dma_wait3A_16 = tpu.memref_slice %arg2[%mul3A_2] : memref<4096xi32, #tpu.memory_space<hbm>> -> memref<128xi32, #tpu.memory_space<hbm>>
      tpu.wait_dma2 semaphore(%run_scoped3A : memref<!tpu.dma_semaphore, #tpu.memory_space<semaphore_mem>>) src(%dma_wait3A_16 : memref<128xi32, #tpu.memory_space<hbm>>) dst(%dma_wait3A_15 : memref<128xi32, #tpu.memory_space<vmem>>)
      tpu.yield
    }) : () -> ()
    %scan3A = arith.constant 0 : i32
    %scan3A_3 = arith.constant 4 : i32
    %scan3A_4 = arith.addi %scan3A, %scan3A_3 : i32
    %scan3A_5 = arith.constant 1 : i32
    scf.for %scan3A_7 = %scan3A to %scan3A_4 step %scan3A_5  : i32 {
      %mul3A_8 = arith.constant 32 : i32
      %mul3A_9 = arith.muli %scan3A_7, %mul3A_8 : i32
      %scan3A_10 = arith.constant 0 : i32
      %scan3A_11 = arith.constant 32 : i32
      %scan3A_12 = arith.addi %scan3A_10, %scan3A_11 : i32
      %scan3A_13 = arith.constant 1 : i32
      scf.for %scan3A_22 = %scan3A_10 to %scan3A_12 step %scan3A_13  : i32 {
        %add3A_23 = arith.addi %mul3A_9, %scan3A_22 : i32
        %get3A = arith.index_cast %add3A_23 : i32 to index
        %get3A_24 = tpu.vector_load %arg7[%get3A] {strides = array<i32>} : memref<144xi32, #tpu.memory_space<vmem>>, vector<16xi32>,
        %get3A_25 = vector.shape_cast %get3A_24 : vector<16xi32> to vector<16xi32>
        %slice3A = vector.extract_strided_slice %get3A_25 {offsets = [0], sizes = [1], strides = [1]} : vector<16xi32> to vector<1xi32>
        %squeeze3A = vector.extract %slice3A[0] : i32 from vector<1xi32>
        %dma_start3A = arith.constant 0 : i32
        %dma_start3A_26 = arith.constant 0 : i32
        %dma_start3A_27 = tpu.memref_slice %arg8[%scan3A_22, %dma_start3A, %dma_start3A_26] : memref<32x6x6xf32, #tpu.memory_space<vmem>> -> memref<1x6x6xf32, #tpu.memory_space<vmem>>
        %dma_start3A_28 = tpu.memref_squeeze %dma_start3A_27 : memref<1x6x6xf32, #tpu.memory_space<vmem>> -> memref<6x6xf32, #tpu.memory_space<vmem>>
        %dma_start3A_29 = arith.constant 0 : i32
        %dma_start3A_30 = arith.constant 0 : i32
        %dma_start3A_31 = tpu.memref_slice %arg3[%squeeze3A, %dma_start3A_29, %dma_start3A_30] : memref<100000x6x6xf32, #tpu.memory_space<hbm>> -> memref<1x6x6xf32, #tpu.memory_space<hbm>>
        %dma_start3A_32 = tpu.memref_squeeze %dma_start3A_31 : memref<1x6x6xf32, #tpu.memory_space<hbm>> -> memref<6x6xf32, #tpu.memory_space<hbm>>
        %dma_start3A_33 = arith.constant 0 : i32
        %dma_start3A_34 = arith.constant 0 : i32
        %dma_start3A_35 = tpu.memref_slice %arg8[%scan3A_22, %dma_start3A_33, %dma_start3A_34] : memref<32x6x6xf32, #tpu.memory_space<vmem>> -> memref<1x6x6xf32, #tpu.memory_space<vmem>>
        %dma_start3A_36 = tpu.memref_squeeze %dma_start3A_35 : memref<1x6x6xf32, #tpu.memory_space<vmem>> -> memref<6x6xf32, #tpu.memory_space<vmem>>
        %dma_start3A_37 = arith.constant 0 : i32
        %dma_start3A_38 = arith.constant 0 : i32
        %dma_start3A_39 = tpu.memref_slice %arg3[%squeeze3A, %dma_start3A_37, %dma_start3A_38] : memref<100000x6x6xf32, #tpu.memory_space<hbm>> -> memref<1x6x6xf32, #tpu.memory_space<hbm>>
        %dma_start3A_40 = tpu.memref_squeeze %dma_start3A_39 : memref<1x6x6xf32, #tpu.memory_space<hbm>> -> memref<6x6xf32, #tpu.memory_space<hbm>>
        tpu.enqueue_dma source(%dma_start3A_40 : memref<6x6xf32, #tpu.memory_space<hbm>>) target(%dma_start3A_36 : memref<6x6xf32, #tpu.memory_space<vmem>>) target_semaphore(%arg10 : memref<!tpu.dma_semaphore, #tpu.memory_space<semaphore_mem>>)
        %dma_start3A_41 = arith.constant 0 : i32
        %dma_start3A_42 = arith.constant 0 : i32
        %dma_start3A_43 = tpu.memref_slice %arg9[%scan3A_22, %dma_start3A_41, %dma_start3A_42] : memref<32x6x3xf32, #tpu.memory_space<vmem>> -> memref<1x6x3xf32, #tpu.memory_space<vmem>>
        %dma_start3A_44 = tpu.memref_squeeze %dma_start3A_43 : memref<1x6x3xf32, #tpu.memory_space<vmem>> -> memref<6x3xf32, #tpu.memory_space<vmem>>
        %dma_start3A_45 = arith.constant 0 : i32
        %dma_start3A_46 = arith.constant 0 : i32
        %dma_start3A_47 = tpu.memref_slice %arg4[%squeeze3A, %dma_start3A_45, %dma_start3A_46] : memref<100000x6x3xf32, #tpu.memory_space<hbm>> -> memref<1x6x3xf32, #tpu.memory_space<hbm>>
        %dma_start3A_48 = tpu.memref_squeeze %dma_start3A_47 : memref<1x6x3xf32, #tpu.memory_space<hbm>> -> memref<6x3xf32, #tpu.memory_space<hbm>>
        %dma_start3A_49 = arith.constant 0 : i32
        %dma_start3A_50 = arith.constant 0 : i32
        %dma_start3A_51 = tpu.memref_slice %arg9[%scan3A_22, %dma_start3A_49, %dma_start3A_50] : memref<32x6x3xf32, #tpu.memory_space<vmem>> -> memref<1x6x3xf32, #tpu.memory_space<vmem>>
        %dma_start3A_52 = tpu.memref_squeeze %dma_start3A_51 : memref<1x6x3xf32, #tpu.memory_space<vmem>> -> memref<6x3xf32, #tpu.memory_space<vmem>>
        %dma_start3A_53 = arith.constant 0 : i32
        %dma_start3A_54 = arith.constant 0 : i32
        %dma_start3A_55 = tpu.memref_slice %arg4[%squeeze3A, %dma_start3A_53, %dma_start3A_54] : memref<100000x6x3xf32, #tpu.memory_space<hbm>> -> memref<1x6x3xf32, #tpu.memory_space<hbm>>
        %dma_start3A_56 = tpu.memref_squeeze %dma_start3A_55 : memref<1x6x3xf32, #tpu.memory_space<hbm>> -> memref<6x3xf32, #tpu.memory_space<hbm>>
        tpu.enqueue_dma source(%dma_start3A_56 : memref<6x3xf32, #tpu.memory_space<hbm>>) target(%dma_start3A_52 : memref<6x3xf32, #tpu.memory_space<vmem>>) target_semaphore(%arg11 : memref<!tpu.dma_semaphore, #tpu.memory_space<semaphore_mem>>)
      }
      %scan3A_14 = arith.constant 32 : i32
      %scan3A_15 = arith.constant 0 : i32
      %scan3A_16 = arith.constant 32 : i32
      %scan3A_17 = arith.addi %scan3A_15, %scan3A_16 : i32
      %scan3A_18 = arith.constant 1 : i32
      scf.for %scan3A_22 = %scan3A_15 to %scan3A_17 step %scan3A_18  : i32 {
        %dma_wait3A = arith.constant 0 : i32
        %dma_wait3A_23 = arith.constant 0 : i32
        %dma_wait3A_24 = arith.constant 0 : i32
        %dma_wait3A_25 = tpu.memref_slice %arg8[%scan3A_22, %dma_wait3A_23, %dma_wait3A_24] : memref<32x6x6xf32, #tpu.memory_space<vmem>> -> memref<1x6x6xf32, #tpu.memory_space<vmem>>
        %dma_wait3A_26 = tpu.memref_squeeze %dma_wait3A_25 : memref<1x6x6xf32, #tpu.memory_space<vmem>> -> memref<6x6xf32, #tpu.memory_space<vmem>>
        %dma_wait3A_27 = arith.constant 0 : i32
        %dma_wait3A_28 = arith.constant 0 : i32
        %dma_wait3A_29 = tpu.memref_slice %arg3[%dma_wait3A, %dma_wait3A_27, %dma_wait3A_28] : memref<100000x6x6xf32, #tpu.memory_space<hbm>> -> memref<1x6x6xf32, #tpu.memory_space<hbm>>
        %dma_wait3A_30 = tpu.memref_squeeze %dma_wait3A_29 : memref<1x6x6xf32, #tpu.memory_space<hbm>> -> memref<6x6xf32, #tpu.memory_space<hbm>>
        %dma_wait3A_31 = arith.constant 0 : i32
        %dma_wait3A_32 = arith.constant 0 : i32
        %dma_wait3A_33 = tpu.memref_slice %arg8[%scan3A_22, %dma_wait3A_31, %dma_wait3A_32] : memref<32x6x6xf32, #tpu.memory_space<vmem>> -> memref<1x6x6xf32, #tpu.memory_space<vmem>>
        %dma_wait3A_34 = tpu.memref_squeeze %dma_wait3A_33 : memref<1x6x6xf32, #tpu.memory_space<vmem>> -> memref<6x6xf32, #tpu.memory_space<vmem>>
        %dma_wait3A_35 = arith.constant 0 : i32
        %dma_wait3A_36 = arith.constant 0 : i32
        %dma_wait3A_37 = tpu.memref_slice %arg3[%dma_wait3A, %dma_wait3A_35, %dma_wait3A_36] : memref<100000x6x6xf32, #tpu.memory_space<hbm>> -> memref<1x6x6xf32, #tpu.memory_space<hbm>>
        %dma_wait3A_38 = tpu.memref_squeeze %dma_wait3A_37 : memref<1x6x6xf32, #tpu.memory_space<hbm>> -> memref<6x6xf32, #tpu.memory_space<hbm>>
        tpu.wait_dma2 semaphore(%arg10 : memref<!tpu.dma_semaphore, #tpu.memory_space<semaphore_mem>>) src(%dma_wait3A_38 : memref<6x6xf32, #tpu.memory_space<hbm>>) dst(%dma_wait3A_34 : memref<6x6xf32, #tpu.memory_space<vmem>>)
        %dma_wait3A_39 = arith.constant 0 : i32
        %dma_wait3A_40 = arith.constant 0 : i32
        %dma_wait3A_41 = arith.constant 0 : i32
        %dma_wait3A_42 = tpu.memref_slice %arg9[%scan3A_22, %dma_wait3A_40, %dma_wait3A_41] : memref<32x6x3xf32, #tpu.memory_space<vmem>> -> memref<1x6x3xf32, #tpu.memory_space<vmem>>
        %dma_wait3A_43 = tpu.memref_squeeze %dma_wait3A_42 : memref<1x6x3xf32, #tpu.memory_space<vmem>> -> memref<6x3xf32, #tpu.memory_space<vmem>>
        %dma_wait3A_44 = arith.constant 0 : i32
        %dma_wait3A_45 = arith.constant 0 : i32
        %dma_wait3A_46 = tpu.memref_slice %arg4[%dma_wait3A_39, %dma_wait3A_44, %dma_wait3A_45] : memref<100000x6x3xf32, #tpu.memory_space<hbm>> -> memref<1x6x3xf32, #tpu.memory_space<hbm>>
        %dma_wait3A_47 = tpu.memref_squeeze %dma_wait3A_46 : memref<1x6x3xf32, #tpu.memory_space<hbm>> -> memref<6x3xf32, #tpu.memory_space<hbm>>
        %dma_wait3A_48 = arith.constant 0 : i32
        %dma_wait3A_49 = arith.constant 0 : i32
        %dma_wait3A_50 = tpu.memref_slice %arg9[%scan3A_22, %dma_wait3A_48, %dma_wait3A_49] : memref<32x6x3xf32, #tpu.memory_space<vmem>> -> memref<1x6x3xf32, #tpu.memory_space<vmem>>
        %dma_wait3A_51 = tpu.memref_squeeze %dma_wait3A_50 : memref<1x6x3xf32, #tpu.memory_space<vmem>> -> memref<6x3xf32, #tpu.memory_space<vmem>>
        %dma_wait3A_52 = arith.constant 0 : i32
        %dma_wait3A_53 = arith.constant 0 : i32
        %dma_wait3A_54 = tpu.memref_slice %arg4[%dma_wait3A_39, %dma_wait3A_52, %dma_wait3A_53] : memref<100000x6x3xf32, #tpu.memory_space<hbm>> -> memref<1x6x3xf32, #tpu.memory_space<hbm>>
        %dma_wait3A_55 = tpu.memref_squeeze %dma_wait3A_54 : memref<1x6x3xf32, #tpu.memory_space<hbm>> -> memref<6x3xf32, #tpu.memory_space<hbm>>
        tpu.wait_dma2 semaphore(%arg11 : memref<!tpu.dma_semaphore, #tpu.memory_space<semaphore_mem>>) src(%dma_wait3A_55 : memref<6x3xf32, #tpu.memory_space<hbm>>) dst(%dma_wait3A_51 : memref<6x3xf32, #tpu.memory_space<vmem>>)
      }
      %scan3A_19 = arith.constant 32 : i32
      %add3A_20 = arith.addi %mul3A_2, %mul3A_9 : i32
      "tpu.region"() ({
        %run_scoped3A = tpu.sem_alloc : memref<!tpu.dma_semaphore, #tpu.memory_space<semaphore_mem>>
        %dma_start3A = arith.constant 0 : i32
        %dma_start3A_22 = arith.constant 0 : i32
        %dma_start3A_23 = tpu.memref_slice %arg5[%add3A_20, %dma_start3A, %dma_start3A_22] : memref<4096x6x6xf32, #tpu.memory_space<hbm>> -> memref<32x6x6xf32, #tpu.memory_space<hbm>>
        %dma_start3A_24 = arith.constant 0 : i32
        %dma_start3A_25 = arith.constant 0 : i32
        %dma_start3A_26 = tpu.memref_slice %arg5[%add3A_20, %dma_start3A_24, %dma_start3A_25] : memref<4096x6x6xf32, #tpu.memory_space<hbm>> -> memref<32x6x6xf32, #tpu.memory_space<hbm>>
        tpu.enqueue_dma source(%arg8 : memref<32x6x6xf32, #tpu.memory_space<vmem>>) target(%dma_start3A_26 : memref<32x6x6xf32, #tpu.memory_space<hbm>>) target_semaphore(%run_scoped3A : memref<!tpu.dma_semaphore, #tpu.memory_space<semaphore_mem>>)
        %dma_wait3A = arith.constant 0 : i32
        %dma_wait3A_27 = arith.constant 0 : i32
        %dma_wait3A_28 = tpu.memref_slice %arg5[%add3A_20, %dma_wait3A, %dma_wait3A_27] : memref<4096x6x6xf32, #tpu.memory_space<hbm>> -> memref<32x6x6xf32, #tpu.memory_space<hbm>>
        %dma_wait3A_29 = arith.constant 0 : i32
        %dma_wait3A_30 = arith.constant 0 : i32
        %dma_wait3A_31 = tpu.memref_slice %arg5[%add3A_20, %dma_wait3A_29, %dma_wait3A_30] : memref<4096x6x6xf32, #tpu.memory_space<hbm>> -> memref<32x6x6xf32, #tpu.memory_space<hbm>>
        tpu.wait_dma2 semaphore(%run_scoped3A : memref<!tpu.dma_semaphore, #tpu.memory_space<semaphore_mem>>) src(%arg8 : memref<32x6x6xf32, #tpu.memory_space<vmem>>) dst(%dma_wait3A_31 : memref<32x6x6xf32, #tpu.memory_space<hbm>>)
        tpu.yield
      }) : () -> ()
      %add3A_21 = arith.addi %mul3A_2, %mul3A_9 : i32
      "tpu.region"() ({
        %run_scoped3A = tpu.sem_alloc : memref<!tpu.dma_semaphore, #tpu.memory_space<semaphore_mem>>
        %dma_start3A = arith.constant 0 : i32
        %dma_start3A_22 = arith.constant 0 : i32
        %dma_start3A_23 = tpu.memref_slice %arg6[%add3A_21, %dma_start3A, %dma_start3A_22] : memref<4096x6x3xf32, #tpu.memory_space<hbm>> -> memref<32x6x3xf32, #tpu.memory_space<hbm>>
        %dma_start3A_24 = arith.constant 0 : i32
        %dma_start3A_25 = arith.constant 0 : i32
        %dma_start3A_26 = tpu.memref_slice %arg6[%add3A_21, %dma_start3A_24, %dma_start3A_25] : memref<4096x6x3xf32, #tpu.memory_space<hbm>> -> memref<32x6x3xf32, #tpu.memory_space<hbm>>
        tpu.enqueue_dma source(%arg9 : memref<32x6x3xf32, #tpu.memory_space<vmem>>) target(%dma_start3A_26 : memref<32x6x3xf32, #tpu.memory_space<hbm>>) target_semaphore(%run_scoped3A : memref<!tpu.dma_semaphore, #tpu.memory_space<semaphore_mem>>)
        %dma_wait3A = arith.constant 0 : i32
        %dma_wait3A_27 = arith.constant 0 : i32
        %dma_wait3A_28 = tpu.memref_slice %arg6[%add3A_21, %dma_wait3A, %dma_wait3A_27] : memref<4096x6x3xf32, #tpu.memory_space<hbm>> -> memref<32x6x3xf32, #tpu.memory_space<hbm>>
        %dma_wait3A_29 = arith.constant 0 : i32
        %dma_wait3A_30 = arith.constant 0 : i32
        %dma_wait3A_31 = tpu.memref_slice %arg6[%add3A_21, %dma_wait3A_29, %dma_wait3A_30] : memref<4096x6x3xf32, #tpu.memory_space<hbm>> -> memref<32x6x3xf32, #tpu.memory_space<hbm>>
        tpu.wait_dma2 semaphore(%run_scoped3A : memref<!tpu.dma_semaphore, #tpu.memory_space<semaphore_mem>>) src(%arg9 : memref<32x6x3xf32, #tpu.memory_space<vmem>>) dst(%dma_wait3A_31 : memref<32x6x3xf32, #tpu.memory_space<hbm>>)
        tpu.yield
      }) : () -> ()
    }
    %scan3A_6 = arith.constant 4 : i32
    return
  }
}

</mosaic_0001>

<sc_bundles>
// kernel: kernel.3.cloned.1.call-start
scs
__scs_entry_jumppad:
0x0: {  	(pc) =	sbr.rel $0x88, $3  }
0x1: {  	(tag) =	ssettag $0x0;
	lr =	simm.s32 $0x1  }
0x2: {  	[smem:$0x3F9E] =	sst lr;
	_ =	strace $0xD0000000  }
0x3: {  	_ = 	snop  }
0x4: {  	_ = 	snop  }
0x5: {  	_ = 	snop  }
0x6: {  	_ = 	snop  }
0x7: {  	_ = 	snop  }
__scs_overlays_trampoline_lowered:
0x8: {  	[smem:$0x3FAD] =	sst s0  }
0x9: {  	[smem:$0x3FAE] =	sst s1  }
0xa: {  	[smem:$0x3FAF] =	sst s2  }
0xb: {  	[smem:$0x3FB0] =	sst s3  }
0xc: {  	[smem:$0x3FB1] =	sst s4  }
0xd: {  	[smem:$0x3FB2] =	sst s5  }
0xe: {  	[smem:$0x3FB3] =	sst s6  }
0xf: {  	[smem:$0x3FB4] =	sst s7  }
0x10: {  	[smem:$0x3FB5] =	sst s8  }
0x11: {  	[smem:$0x3FB6] =	sst s9;
	s0 =	simm.s32 @!p0 $0x0  }
0x12: {  	s1 =	sld [smem:$0x3F9C];
	s0 =	simm.s32 @p0 $0x1  }
0x13: {  	[smem:$0x3FB7] =	sst s0;
	s0 =	simm.s32 @!p1 $0x0  }
0x14: {  	s2 =	sld [smem:$0x3F9B];
	s0 =	simm.s32 @p1 $0x1  }
0x15: {  	[smem:$0x3FB8] =	sst s0;
	s0 =	simm.s32 @!p2 $0x0  }
0x16: {  	s3 =	sld [smem:$0x3FDB];
	s0 =	simm.s32 @p2 $0x1  }
0x17: {  	s4 =	simm.s32 $0x1BF5;
	[smem:$0x3FBA] =	sst s0  }
0x18: {  	s0 =	sld [smem:$0x3F9D];
	_ =	swait.ge [sflag:s4], $0x0  }
0x19: {  	s7 =	sld [smem:$0x3F9E]  }
0x1a: {  	s8 =	sadd.s32 $0xFFFFE003, lr  }
0x1b: {  	s9 =	sadd.s32 $0xFFFFFEF7, lr;
	s5 =	simm.s32 $0xFFFFFFFF;
	p2 =	slt.u32 s8, $0xFFFFF086  }
0x1c: {  	p1 =	slt.u32 s9, $0xF7A;
	s5 =	simm.s32 @!p2 $0x0  }
0x1d: {  	s5 =	simm.s32 @p1 $0x1;
	p0 =	seq.s32 s7, s2  }
0x1e: {  	s7 =	smul.u32 @!p0 $0xF7A, s2;
	p2 =	seq.s32 @!p0 s5, $0x0  }
0x1f: {  	s9 =	smul.u32 $0xF7A, s1;
	s8 =	simm.s32 @!p0 $0x1BF5;
	p2 =	por !p2, p0  }
0x20: {  	[sflag:s8] =	ssyncset.s32 @!p0 $0xFFFFF086;
	s6 =	sadd.s32 @!p0 s3, s7;
	s7 =	simm.s32 @!p0 $0x108  }
0x21: {  	s3 =	sadd.s32 s3, s9;
	s6 =	sadd.s32 @!p0 $0x88, s6;
	s7 =	simm.s32 @p2 $0x1082  }
0x22: {  	[simem:s7], [sflag:s8] =	dma.local @!p0 [hbm:s6], $0xF7A  }
0x23: {  	s9 =	sor.u32 $0xD0000000, s2;
	s6 =	simm.s32 $0x108;
	_ =	swait.ge @!p0 [sflag:s8], $0x0  }
0x24: {  	s3 =	sadd.s32 $0x88, s3;
	s6 =	simm.s32 @!p1 $0x1082;
	[sflag:s4] =	ssyncset.s32 $0xFFFFF086  }
0x25: {  	[simem:s6], [sflag:s4] =	dma.local [hbm:s3], $0xF7A  }
0x26: {  	[smem:$0x3F9E] =	sst s1;
	(tag) =	ssettag s2;
	_ =	strace s9  }
0x27: {  	s1 =	sld [smem:$0x3FAE]  }
0x28: {  	s2 =	sld [smem:$0x3FAF]  }
0x29: {  	s4 =	sld [smem:$0x3FB1]  }
0x2a: {  	p0 =	seq.s32 s5, $0x0;
	s5 =	sld [smem:$0x3FB2]  }
0x2b: {  	s6 =	sld [smem:$0x3FB3]  }
0x2c: {  	s7 =	sld [smem:$0x3FB4]  }
0x2d: {  	s3 =	simm.s32 $0x108;
	s8 =	sld [smem:$0x3FB5]  }
0x2e: {  	s3 =	simm.s32 @!p0 $0x1082;
	s9 =	sld [smem:$0x3FB6]  }
0x2f: {  	lr =	sadd.s32 s0, s3;
	s0 =	sld [smem:$0x3FAD]  }
0x30: {  	s3 =	sld [smem:$0x3FB0]  }
0x31: {  	[smem:$0x3FB9] =	sst s10  }
0x32: {  	s10 =	sld [smem:$0x3FB7];
	_ =	sdelay $0x3  }
0x33: {  	p0 =	seq.s32 s10, $0x1;
	s10 =	sld [smem:$0x3FB9];
	_ =	sdelay $0x3  }
0x34: {  	[smem:$0x3FB9] =	sst s10  }
0x35: {  	s10 =	sld [smem:$0x3FB8];
	_ =	sdelay $0x3  }
0x36: {  	p1 =	seq.s32 s10, $0x1;
	s10 =	sld [smem:$0x3FB9];
	_ =	sdelay $0x3  }
0x37: {  	[smem:$0x3FB9] =	sst s10  }
0x38: {  	s10 =	sld [smem:$0x3FBA]  }
0x39: {  	_ = 	snop;
	(pc) =	sbr.ind lr, $3  }
0x3a: {  	_ = 	snop  }
0x3b: {  	_ = 	snop  }
0x3c: {  	p2 =	seq.s32 s10, $0x1;
	s10 =	sld [smem:$0x3FB9]  }
0x3d: {  	_ =	shalt  }
0x3e: {  	_ =	shalt  }
0x3f: {  	_ =	shalt  }
0x40: {  	_ =	shalt  }
0x41: {  	_ =	shalt  }
0x42: {  	_ =	shalt  }
0x43: {  	_ =	shalt  }
0x44: {  	_ =	shalt  }
0x45: {  	_ =	shalt  }
0x46: {  	_ =	shalt  }
0x47: {  	_ =	shalt  }
0x48: {  	_ =	shalt  }
0x49: {  	_ =	shalt  }
0x4a: {  	_ =	shalt  }
0x4b: {  	_ =	shalt  }
0x4c: {  	_ =	shalt  }
0x4d: {  	_ =	shalt  }
0x4e: {  	_ =	shalt  }
0x4f: {  	_ =	shalt  }
0x50: {  	_ =	shalt  }
0x51: {  	_ =	shalt  }
0x52: {  	_ =	shalt  }
0x53: {  	_ =	shalt  }
0x54: {  	_ =	shalt  }
0x55: {  	_ =	shalt  }
0x56: {  	_ =	shalt  }
0x57: {  	_ =	shalt  }
0x58: {  	_ =	shalt  }
0x59: {  	_ =	shalt  }
0x5a: {  	_ =	shalt  }
0x5b: {  	_ =	shalt  }
0x5c: {  	_ =	shalt  }
0x5d: {  	_ =	shalt  }
0x5e: {  	_ =	shalt  }
0x5f: {  	_ =	shalt  }
0x60: {  	_ =	shalt  }
0x61: {  	_ =	shalt  }
0x62: {  	_ =	shalt  }
0x63: {  	_ =	shalt  }
0x64: {  	_ =	shalt  }
0x65: {  	_ =	shalt  }
0x66: {  	_ =	shalt  }
0x67: {  	_ =	shalt  }
0x68: {  	_ =	shalt  }
0x69: {  	_ =	shalt  }
0x6a: {  	_ =	shalt  }
0x6b: {  	_ =	shalt  }
0x6c: {  	_ =	shalt  }
0x6d: {  	_ =	shalt  }
0x6e: {  	_ =	shalt  }
0x6f: {  	_ =	shalt  }
0x70: {  	_ =	shalt  }
0x71: {  	_ =	shalt  }
0x72: {  	_ =	shalt  }
0x73: {  	_ =	shalt  }
0x74: {  	_ =	shalt  }
0x75: {  	_ =	shalt  }
0x76: {  	_ =	shalt  }
0x77: {  	_ =	shalt  }
0x78: {  	_ =	shalt  }
0x79: {  	_ =	shalt  }
0x7a: {  	_ =	shalt  }
0x7b: {  	_ =	shalt  }
0x7c: {  	_ =	shalt  }
0x7d: {  	_ =	shalt  }
0x7e: {  	_ =	shalt  }
0x7f: {  	_ =	shalt  }
0x80: {  	_ =	shalt  }
0x81: {  	_ =	shalt  }
0x82: {  	_ =	shalt  }
0x83: {  	_ =	shalt  }
0x84: {  	_ =	shalt  }
0x85: {  	_ =	shalt  }
0x86: {  	_ =	shalt  }
0x87: {  	_ =	shalt  }
.Lfunc_end0:
.L_simem_size_0:
called_computation_lowered:
.L_overlay_start_0:
0x88: {  	s2 =	sld [smem:$0x3FD9]  }
0x89: {  	s3 =	sld [smem:$0x3FFE];
	_ =	sdelay $0x1  }
0x8a: {  	s1 =	srdreg.scid  }
0x8b: {  	s0 =	sand.u32 $0x1, s1  }
0x8c: {  	s17 =	sshll.u32 s0, $0xA;
	s2 =	sadd.s32 s3, s2  }
0x8d: {  	s2 =	sadd.s32 s2, s17  }
0x8e: {  	[smem:$0x3FC5] =	sst s2  }
0x8f: {  	_ = 	snop  }
0x90: {  	s2 =	sld [smem:$0x3FC9];
	(tm) =	ssettm $0x1  }
0x91: {  	s18 =	sld [smem:$0x3FFB];
	_ =	sdelay $0x3  }
0x92: {  	_ =	strace s18  }
0x93: {  	s3 =	sld [smem:$0x3FFC];
	_ =	sdelay $0x3  }
0x94: {  	_ =	strace s3  }
0x95: {  	s3 =	sld [smem:$0x3FFD];
	_ =	sdelay $0x3  }
0x96: {  	_ =	strace s3  }
0x97: {  	_ =	strace $0x8FFFFFFF  }
0x98: {  	s19 =	sld [smem:$0x3FDB];
	_ =	sdelay $0x1  }
0x99: {  	s4 =	simm.s32 $_scs_section_size  }
0x9a: {  	s5 =	simm.s32 $_size__tile_overlayer_lowered;
	s6 =	simm.s32 $_tile_overlayer_lowered  }
0x9b: {  	s22 =	simm.s32 $0x1BFF;
	s21 =	sshll.u32 s6, $0x1;
	s3 =	sadd.s32 s4, s19  }
0x9c: {  	s7 =	simm.s32 $0x0;
	s20 =	sshll.u32 s5, $0x1;
	s5 =	sadd.s32 s21, s3  }
0x9d: {  	[timem:s7], [sflag:s22] =	dma.local [hbm:s5], s20  }
0x9e: {  	_ =	swait.ge [sflag:s22], s20  }
0x9f: {  	s4 =	ssub.s32 $0x0, s20;
	[sflag:s22] =	ssyncset.done $0x0  }
0xa0: {  	[sflag:s22] =	ssyncadd.s32 s4;
	_ =	sdelay $0x1  }
0xa1: {  	s23 =	simm.s32 $0x1B8B  }
0xa2: {  	_ =	swait.ge [sflag:s23], $0x1  }
0xa3: {  	[sflag:s23] =	ssyncset.done $0x0  }
0xa4: {  	s25 =	simm.s32 $0x1B8E;
	s24 =	sld [smem:$0x3FFE];
	[sflag:s23] =	ssyncadd.s32 $0xFFFFFFFF  }
0xa5: {  	s26 =	simm.s32 $execute0_lowered;
	[smem:$0x3FD2] =	sst s25  }
0xa6: {  	s5 =	sshll.u32 s26, $0x1;
	_ =	strace $0x80000046;
	[dreg:$0x1] =	wrdreg $0xFFFFFFFF  }
0xa7: {  	s28 =	simm.s32 $_size_execute0_lowered;
	s3 =	sadd.s32 s3, s5;
	[dreg:$0x0] =	wrdreg $0x0  }
0xa8: {  	s5 =	sshll.u32 s28, $0x1;
	[dreg:$0x2] =	wrdreg s3  }
0xa9: {  	[dreg:$0x3] =	wrdreg s5  }
0xaa: {  	[dreg:$0x4] =	wrdreg $0xC0  }
0xab: {  	_ =	task [dreg:s7], $0x5FFFF  }
0xac: {  	[dreg:$0x1] =	wrdreg $0xFFFFFFFF  }
0xad: {  	[dreg:$0x0] =	wrdreg $0x60  }
0xae: {  	[dreg:$0x2] =	wrdreg s2  }
0xaf: {  	[dreg:$0x3] =	wrdreg s24  }
0xb0: {  	[dreg:$0x4] =	wrdreg $0x9  }
0xb1: {  	_ =	task.clear_ibuf [dreg:s7], $0x5FFFF;
	_ =	strace $0x90000046  }
0xb2: {  	s29 =	simm.s32 $0x9;
	_ =	strace $0x80000048  }
0xb3: {  	_ =	swait.ge [sflag:s29], $0x1  }
0xb4: {  	[sflag:s29] =	ssyncadd.s32 $0xFFFFFFFF  }
0xb5: {  	_ =	strace $0x90000048  }
0xb6: {  	_ =	sfence  }
0xb7: {  	s30 =	sld [smem:$0x0];
	_ =	sdelay $0x2  }
0xb8: {  	s31 =	sshll.u32 s1, $0xD;
	s1 =	sshrl.u32 s1, $0x2  }
0xb9: {  	s3 =	sand.u32 $0x4000, s31;
	s1 =	sadd.s32 s1, s30  }
0xba: {  	s0 =	sor.u32 s3, s0;
	s1 =	sshll.u32 s1, $0x11  }
0xbb: {  	s0 =	sor.u32 s1, s0  }
0xbc: {  	s0 =	sadd.s32 $0x8F2B, s0  }
0xbd: {  	[sflag:s0] =	ssyncadd.remote.s32 $0x1  }
0xbe: {  	_ =	sfence.sel $0xFFFF  }
0xbf: {  	[dreg:$0x0] =	wrdreg $0xFFFFFFFF;
	(pc) =	sbr.abs _section_cstart, $3  }
0xc0: {  	[dreg:$0x1] =	wrdreg $0xFFFFFFFF  }
0xc1: {  	_ =	task.clear_ibuf [dreg:s7], $0x2FFFF;
	_ =	strace $0x9FFFFFFF  }
0xc2: {  	(tm) =	ssettm $0x7FFFFFFF  }
0xc3: {  	_ =	shalt  }
tec
execute0_lowered:
.L_overlay_start_1:
0x0: {  	(tag) =	ssettag $0x1  }
0x1: {  	s8 =	rddreg [dreg:$0x0]  }
0x2: {  	s7 =	rddreg [dreg:$0x1]  }
0x3: {  	s0 =	rddreg [dreg:$0x2];
	s1 =	simm.s32 $0x0;
	s5 =	srdreg.scid  }
0x4: {  	s2 =	stileid.u32;
	s12 =	simm.s32 $0x2;
	s13 =	simm.s32 $0x0  }
0x5: {  	[smem:$0x7FF] =	sst s1;
	s3 =	sadd.s32 $0xC00, s7;
	s4 =	sadd.s32 $0xC35C00, s7  }
0x6: {  	s5 =	sand.u32 $0x1, s5;
	s6 =	sshll.u32 s2, $0x8;
	_ =	strace $0x80000047  }
0x7: {  	s9 =	ssub.s32 $0x2, s5;
	s10 =	sshll.u32 s5, $0x7;
	s5 =	sadd.s32 $0x186AC00, s7  }
0x8: {  	s7 =	sadd.s32 $0x18EAC00, s7;
	s11 =	sshrl.u32 s9, $0x1;
	s6 =	sor.u32 s10, s6  }
0x9: {  	s9 =	ssub.s32 s9, s11;
	s10 =	sshrl.u32 s6, $0x3;
	s11 =	simm.s32 $0x1  }
0xa: {  	s8 =	sadd.s32 s8, s10;
	s9 =	smax.u32 s9, $0x1;
	s10 =	simm.s32 $0x3  }
.LBB2_1:
0xb: {  	[tilespmem:s1], [sflag:$0x3] =	stream.linear.gather [hbm4b:s8+s1], $0x80, $0x38;
	[tilespmem:$0x10100] =	vst v63  }
0xc: {  	_ =	swait.ge [sflag:s10], $0x80  }
0xd: {  	[sflag:s10] =	ssyncset.done $0x0  }
0xe: {  	s14 =	simm.s32 $0x0;
	s15 =	simm.s32 $0x0;
	[sflag:s10] =	ssyncadd.s32 $0xFFFFFF80  }
.LBB2_2:
0xf: {  	s16 =	sshll.u32 s15, $0x5  }
0x10: {  	s17 =	simm.s32 $0x0;
	v0 =	vld [tilespmem:s14+$0x0];
	s18 =	simm.s32 $0x1000;
	s19 =	smov.u32 s14  }
.LBB2_3:
0x11: {  	p0 =	sne.s32 s18, $0x1F000;
	_ =	sdelay $0x3  }
0x12: {  	(v2sf) =	vpush v0, $0x0;
	_ =	sdelay $0xe  }
0x13: {  	s20 =	spop (v2sf)  }
0x14: {  	s21 =	sshra.s32 s17, $0x2;
	s20 =	sshll.u32 s20, $0x7  }
0x15: {  	s17 =	smov.u32 s18;
	s22 =	sadd.s32 $0x100, s21;
	s20 =	sand.u32 $0x1FFFFF80, s20  }
.Ltmp0:
0x16: {  	s23 =	sadd.s32 s3, s20;
	s20 =	sadd.s32 s4, s20;
	(pc) =	sbr.rel @p0 .LBB2_3-.Ltmp0, $4  }
0x17: {  	[tilespmem:s22], [sflag:$0x1] =	stream.linear.gather [hbm4b:s23+s1], $0x300, $0x38;
	[tilespmem:$0x10100] =	vst v63  }
0x18: {  	s19 =	sadd.s32 $0x1, s19;
	s21 =	sadd.s32 $0x8100, s21  }
0x19: {  	[tilespmem:s21], [sflag:$0x2] =	stream.linear.gather [hbm4b:s20+s1], $0x300, $0x38;
	[tilespmem:$0x10100] =	vst v63  }
0x1a: {  	s18 =	sadd.s32 $0x1000, s18;
	v0 =	vld [tilespmem:s19+$0x0]  }
0x1b: {  	_ =	sdelay $0x3  }
0x1c: {  	(v2sf) =	vpush v0, $0x0;
	_ =	sdelay $0xe  }
0x1d: {  	s18 =	spop (v2sf)  }
0x1e: {  	s18 =	sshll.u32 s18, $0x7  }
0x1f: {  	s17 =	sshra.s32 s17, $0x2;
	s18 =	sand.u32 $0x1FFFFF80, s18  }
0x20: {  	s19 =	sadd.s32 $0x100, s17;
	s20 =	sadd.s32 s3, s18  }
0x21: {  	[tilespmem:s19], [sflag:$0x1] =	stream.linear.gather [hbm4b:s20+s1], $0x300, $0x38;
	[tilespmem:$0x10100] =	vst v63  }
0x22: {  	s17 =	sadd.s32 $0x8100, s17;
	s18 =	sadd.s32 s4, s18  }
0x23: {  	[tilespmem:s17], [sflag:$0x2] =	stream.linear.gather [hbm4b:s18+s1], $0x300, $0x38;
	[tilespmem:$0x10100] =	vst v63  }
0x24: {  	_ =	swait.ge [sflag:s11], $0x300  }
0x25: {  	[sflag:s11] =	ssyncset.done $0x0  }
0x26: {  	[sflag:s11] =	ssyncadd.s32 $0xFFFFFD00  }
0x27: {  	_ =	swait.ge [sflag:s12], $0x300  }
0x28: {  	s17 =	simm.s32 $0x1F;
	[sflag:s12] =	ssyncset.done $0x0  }
.LBB2_5:
0x29: {  	p0 =	sne.s32 s17, $0x1;
	s17 =	sadd.s32 $0xFFFFFFFF, s17;
	[sflag:s12] =	ssyncadd.s32 $0xFFFFFD00  }
.Ltmp1:
0x2a: {  	_ =	swait.ge [sflag:s11], $0x300;
	(pc) =	sbr.rel @p0 .LBB2_5-.Ltmp1, $4  }
0x2b: {  	[sflag:s11] =	ssyncset.done $0x0  }
0x2c: {  	[sflag:s11] =	ssyncadd.s32 $0xFFFFFD00  }
0x2d: {  	_ =	swait.ge [sflag:s12], $0x300  }
0x2e: {  	[sflag:s12] =	ssyncset.done $0x0  }
0x2f: {  	s16 =	sor.u32 s6, s16  }
0x30: {  	s16 =	sshll.u32 s16, $0x7  }
0x31: {  	[sflag:s12] =	ssyncadd.s32 $0xFFFFFD00;
	s18 =	simm.s32 $0x100;
	s17 =	sadd.s32 s5, s16  }
0x32: {  	s19 =	simm.s32 $0x80;
	s20 =	simm.s32 $0x500;
	s21 =	sadd.s32 $0x0, s17  }
.LBB2_7:
0x33: {  	[hbm4b:s21+s1] =	stream.linear.scatter [tilespmem:s18], [sflag:$0x3], $0x300, $0x38;
	[tilespmem:$0x10100] =	vst v63  }
0x34: {  	s21 =	smov.u32 s19;
	s18 =	smov.u32 s20;
	p0 =	sne.s32 s19, $0xF80  }
.Ltmp2:
0x35: {  	s19 =	sadd.s32 $0x80, s19;
	(pc) =	sbr.rel @p0 .LBB2_7-.Ltmp2, $2  }
0x36: {  	_ =	sdelay $0x2  }
0x37: {  	s20 =	sadd.s32 $0x400, s20;
	s21 =	sadd.s32 s21, s17  }
0x38: {  	[hbm4b:s21+s1] =	stream.linear.scatter [tilespmem:s18], [sflag:$0x3], $0x300, $0x38;
	[tilespmem:$0x10100] =	vst v63  }
0x39: {  	s16 =	sadd.s32 s7, s16;
	_ =	swait.ge [sflag:s10], $0x6000  }
0x3a: {  	s17 =	simm.s32 $0x8100;
	s18 =	simm.s32 $0x80;
	[sflag:s10] =	ssyncset.done $0x0  }
0x3b: {  	s19 =	simm.s32 $0x8500;
	s20 =	sadd.s32 $0x0, s16;
	[sflag:s10] =	ssyncadd.s32 $0xFFFFA000  }
.LBB2_9:
0x3c: {  	[hbm4b:s20+s1] =	stream.linear.scatter [tilespmem:s17], [sflag:$0x3], $0x300, $0x38;
	[tilespmem:$0x10100] =	vst v63  }
0x3d: {  	s20 =	smov.u32 s18;
	s17 =	smov.u32 s19;
	p0 =	sne.s32 s18, $0xF80  }
.Ltmp3:
0x3e: {  	s18 =	sadd.s32 $0x80, s18;
	(pc) =	sbr.rel @p0 .LBB2_9-.Ltmp3, $2  }
0x3f: {  	_ =	sdelay $0x2  }
0x40: {  	s19 =	sadd.s32 $0x400, s19;
	s20 =	sadd.s32 s20, s16  }
0x41: {  	s15 =	sadd.s32 $0x1, s15  }
0x42: {  	p0 =	sne.s32 s15, $0x4  }
.Ltmp4:
0x43: {  	_ = 	snop;
	(pc) =	sbr.rel @p0 .LBB2_2-.Ltmp4, $4  }
0x44: {  	[hbm4b:s20+s1] =	stream.linear.scatter [tilespmem:s17], [sflag:$0x3], $0x300, $0x38;
	[tilespmem:$0x10100] =	vst v63  }
0x45: {  	_ =	swait.ge [sflag:s10], $0x6000  }
0x46: {  	[sflag:s10] =	ssyncset.done $0x0  }
0x47: {  	s14 =	sadd.s32 $0x20, s14;
	[sflag:s10] =	ssyncadd.s32 $0xFFFFA000  }
0x48: {  	s13 =	sadd.s32 $0x1, s13  }
0x49: {  	p0 =	sne.s32 s13, s9  }
.Ltmp5:
0x4a: {  	_ = 	snop;
	(pc) =	sbr.rel @p0 .LBB2_1-.Ltmp5, $1  }
0x4b: {  	_ =	sdelay $0x3  }
0x4c: {  	_ =	sfence.sel $0x180000  }
0x4d: {  	[bflag:$0x0] =	sbarrier.arrive $0xFFFF  }
0x4e: {  	p0 =	sne.s32 s2, $0x0;
	_ =	strace $0x90000047  }
0x4f: {  	s0 =	sadd.s32 @!p0 $0x100000, s0;
	[bflag:$0x2] =	sbarrier.arrive $0xFFFF  }
0x50: {  	[sflag:s0] =	ssyncadd.tile.s32 @!p0 $0x1;
	_ =	shalt  }
.Lfunc_end2:
_tile_overlayer_lowered:
.L_overlay_start_2:
0x51: {  	(tag) =	ssettag $0x2  }
0x52: {  	s0 =	rddreg [dreg:$0x0];
	s2 =	stileid.u32  }
0x53: {  	s1 =	rddreg [dreg:$0x1];
	p0 =	sne.s32 s2, $0x0  }
0x54: {  	s3 =	rddreg [dreg:$0x2];
	[bflag:$0x3] =	sbarrier.arrive $0xFFFF;
	s2 =	simm.s32 @!p0 $0x1C03  }
0x55: {  	[timem:s3], [sflag:s2] =	dma.local @!p0 [hbm:s0], s1  }
0x56: {  	s0 =	simm.s32 @!p0 $0x3  }
0x57: {  	_ =	swait.ge @!p0 [sflag:s0], s1  }
0x58: {  	s1 =	ssub.s32 @!p0 $0x0, s1;
	[sflag:s0] =	ssyncset.done @!p0 $0x0  }
0x59: {  	[sflag:s0] =	ssyncadd.s32 @!p0 s1  }
0x5a: {  	[bflag:$0x3] =	sbarrier.arrive $0xFFFF  }
0x5b: {  	_ =	shalt  }

</sc_bundles>
